<compile_context>
chip_gen: v7x
topology: tpu7x:2x2x1
jax: 0.10.2.dev20260603
libtpu: 0.0.44.dev20260713+nightly
codegen_flags: <defaults>
</compile_context>

<pallas_src>
import functools

import jax
import jax.numpy as jnp
from jax import lax
from jax.experimental import pallas as pl
from jax.experimental.pallas import tpu as pltpu
from jax.experimental.pallas import tpu_sc as plsc

N = 100000
D = 128

NC = 2
NS = 16
NW = NC * NS

CHUNK = 128
NP = 102400
CPP = NP // (NS * CHUNK)
K_FAST = 39
K_SLOW = CPP - K_FAST
NBUF = 6


def _sc_gather(x, idx3):
    mesh = plsc.VectorSubcoreMesh(
        core_axis_name="c", subcore_axis_name="s", num_cores=NC, num_subcores=NS
    )

    @functools.partial(
        pl.kernel,
        out_type=jax.ShapeDtypeStruct((NP, D), jnp.float32),
        mesh=mesh,
        scratch_types=[
            pltpu.VMEM((CPP, CHUNK), jnp.int32),
            pltpu.VMEM((NBUF, CHUNK, D), jnp.float32),
            pltpu.SemaphoreType.DMA((NBUF,)),
            pltpu.SemaphoreType.DMA((NBUF,)),
        ],
    )
    def gather_kernel(x_hbm, idx_hbm, g_hbm, idx_v, buf, gsem, wsem):
        cix = lax.axis_index("c")
        sid = lax.axis_index("s")
        loff = jnp.where(cix == 0, 0, K_FAST)
        offset = sid * CPP + loff
        count = jnp.where(cix == 0, K_FAST, K_SLOW)

        pltpu.sync_copy(idx_hbm.at[sid], idx_v)

        @pl.when(count > 0)
        def _():
            for j in range(NBUF - 1):
                pltpu.async_copy(x_hbm.at[idx_v.at[loff + j]], buf.at[j], gsem.at[j])

        def chunk_body(i, carry):
            slot = lax.rem(i, NBUF)
            nxt = i + NBUF - 1
            nslot = lax.rem(nxt, NBUF)

            @pl.when(nxt < count)
            def _():
                @pl.when(i >= 1)
                def _():
                    pltpu.make_async_copy(
                        buf.at[nslot],
                        g_hbm.at[pl.ds((offset + i - 1) * CHUNK, CHUNK)],
                        wsem.at[nslot],
                    ).wait()

                pltpu.async_copy(
                    x_hbm.at[idx_v.at[loff + nxt]], buf.at[nslot], gsem.at[nslot]
                )

            pltpu.make_async_copy(
                x_hbm.at[idx_v.at[loff + i]], buf.at[slot], gsem.at[slot]
            ).wait()
            pltpu.async_copy(
                buf.at[slot], g_hbm.at[pl.ds((offset + i) * CHUNK, CHUNK)], wsem.at[slot]
            )
            return carry

        lax.fori_loop(0, count, chunk_body, 0, unroll=False)

        def drain_body(i, carry):
            s = lax.rem(i, NBUF)
            pltpu.make_async_copy(
                buf.at[s], g_hbm.at[pl.ds((offset + i) * CHUNK, CHUNK)], wsem.at[s]
            ).wait()
            return carry

        lax.fori_loop(lax.max(0, count - NBUF), count, drain_body, 0, unroll=False)

    return gather_kernel(x, idx3)


def _tc_linear(g, x, wa, wb, b2):
    R = 2000
    nblk = N // R

    def body(g_ref, x_ref, wa_ref, wb_ref, b_ref, o_ref):
        acc = jnp.dot(g_ref[...], wa_ref[...], preferred_element_type=jnp.float32)
        acc = acc + jnp.dot(x_ref[...], wb_ref[...], preferred_element_type=jnp.float32)
        o_ref[...] = acc + b_ref[...]

    return pl.pallas_call(
        body,
        grid=(nblk,),
        in_specs=[
            pl.BlockSpec((R, D), lambda i: (i, 0)),
            pl.BlockSpec((R, D), lambda i: (i, 0)),
            pl.BlockSpec((D, D), lambda i: (0, 0)),
            pl.BlockSpec((D, D), lambda i: (0, 0)),
            pl.BlockSpec((1, D), lambda i: (0, 0)),
        ],
        out_specs=pl.BlockSpec((R, D), lambda i: (i, 0)),
        out_shape=jax.ShapeDtypeStruct((N, D), jnp.float32),
        compiler_params=pltpu.CompilerParams(
            dimension_semantics=("arbitrary",),
        ),
    )(g, x, wa, wb, b2)


def kernel(x, idx, W2, b2):
    idx_pad = jnp.concatenate([idx, jnp.zeros((NP - N,), jnp.int32)])
    idx3 = idx_pad.reshape(NS, CPP, CHUNK)
    g = _sc_gather(x, idx3)
    wa = W2[:D]
    wb = W2[D:]
    return _tc_linear(g, x, wa, wb, b2.reshape(1, D))

# --- scband reference (transcript-rebuilt; emitter-appended) ---
"""Pipeline reference for scband-message-passing-38474317037707 (READ-ONLY COPY).

The authoritative reference and input builder live on the scoring server;
editing this copy changes nothing except your own understanding.
"""

import jax, jax.numpy as jnp
import numpy as np

N = 100000
D = 128

def setup_inputs(seed: int = 0) -> dict:
    key = jax.random.key(seed)
    k1, k2, k3 = jax.random.split(key, 3)
    x = jax.random.normal(k1, (N, D), dtype=jnp.float32)
    # neighbor index per node; int32 used in jax to avoid x64 flag, values < N
    idx = jax.random.randint(k2, (N,), 0, N, dtype=jnp.int32)
    # lin2: Linear(2*D, D) materialized as parameters (module leaves lin2=None)
    W2 = jax.random.normal(k3, (2 * D, D), dtype=jnp.float32) * 0.02
    b2 = jnp.zeros((D,), dtype=jnp.float32)
    return {"x": x, "idx": idx, "W2": W2, "b2": b2}

def reference(x, idx, W2, b2):
    # connection 1: source=x.x, mapping=x.idx -> gather x[idx]
    z1 = jnp.take(x, idx, axis=0)
    # connection 2: source=x.x, identity mapping -> x itself
    z2 = x
    # propogate: cat along dim 1, then apply destination module lin2
    m = jnp.concatenate([z1, z2], axis=1)
    return m @ W2 + b2

if __name__ == "__main__":
    import jax
    _d = setup_inputs()
    print(jax.jit(kernel)(*tuple(_d.values())))

</pallas_src>

<mosaic_0001>
#map = affine_map<(d0, d1) -> (0, 0)>
#map1 = affine_map<(d0, d1) -> (0, 0, 0)>
module attributes {stable_mosaic.version = 14 : i64} {
  func.func @gather_kernel(%arg0: i32, %arg1: i32, %arg2: memref<100000x128xf32, #tpu.memory_space<hbm>>, %arg3: memref<16x50x128xi32, #tpu.memory_space<hbm>>, %arg4: memref<102400x128xf32, #tpu.memory_space<hbm>>, %arg5: memref<50x128xi32, #tpu.memory_space<vmem>>, %arg6: memref<6x128x128xf32, #tpu.memory_space<vmem>>, %arg7: memref<6x!tpu.dma_semaphore, #tpu.memory_space<semaphore_mem>>, %arg8: memref<6x!tpu.dma_semaphore, #tpu.memory_space<semaphore_mem>>) attributes {dimension_semantics = [#tpu.dimension_semantics<core_parallel>, #tpu.dimension_semantics<subcore_parallel>], iteration_bounds = array<i64: 2, 16>, scalar_prefetch = 0 : i64, scratch_operands = 4 : i64, tpu.core_type = #tpu.core_type<sc_vector_subcore>, window_params = [{transform_indices = #map}, {transform_indices = #map1}, {transform_indices = #map}]} {
    %eq3A = arith.constant 0 : i32
    %eq3A_0 = arith.cmpi eq, %arg0, %eq3A : i32
    %jit3A = arith.constant 0 : i32
    %jit3A_1 = arith.constant 39 : i32
    %select_n3A = arith.select %eq3A_0, %jit3A, %jit3A_1 : i32
    %mul3A = arith.constant 50 : i32
    %mul3A_2 = arith.muli %arg1, %mul3A : i32
    %add3A = arith.addi %mul3A_2, %select_n3A : i32
    %eq3A_3 = arith.constant 0 : i32
    %eq3A_4 = arith.cmpi eq, %arg0, %eq3A_3 : i32
    %jit3A_5 = arith.constant 39 : i32
    %jit3A_6 = arith.constant 11 : i32
    %select_n3A_7 = arith.select %eq3A_4, %jit3A_5, %jit3A_6 : i32
    "tpu.region"() ({
      %run_scoped3A = tpu.sem_alloc : memref<!tpu.dma_semaphore, #tpu.memory_space<semaphore_mem>>
      %dma_start3A = arith.constant 0 : i32
      %dma_start3A_30 = arith.constant 0 : i32
      %dma_start3A_31 = tpu.memref_slice %arg3[%arg1, %dma_start3A, %dma_start3A_30] : memref<16x50x128xi32, #tpu.memory_space<hbm>> -> memref<1x50x128xi32, #tpu.memory_space<hbm>>
      %dma_start3A_32 = tpu.memref_squeeze %dma_start3A_31 : memref<1x50x128xi32, #tpu.memory_space<hbm>> -> memref<50x128xi32, #tpu.memory_space<hbm>>
      %dma_start3A_33 = arith.constant 0 : i32
      %dma_start3A_34 = arith.constant 0 : i32
      %dma_start3A_35 = tpu.memref_slice %arg3[%arg1, %dma_start3A_33, %dma_start3A_34] : memref<16x50x128xi32, #tpu.memory_space<hbm>> -> memref<1x50x128xi32, #tpu.memory_space<hbm>>
      %dma_start3A_36 = tpu.memref_squeeze %dma_start3A_35 : memref<1x50x128xi32, #tpu.memory_space<hbm>> -> memref<50x128xi32, #tpu.memory_space<hbm>>
      tpu.enqueue_dma source(%dma_start3A_36 : memref<50x128xi32, #tpu.memory_space<hbm>>) target(%arg5 : memref<50x128xi32, #tpu.memory_space<vmem>>) target_semaphore(%run_scoped3A : memref<!tpu.dma_semaphore, #tpu.memory_space<semaphore_mem>>)
      %dma_wait3A = arith.constant 0 : i32
      %dma_wait3A_37 = arith.constant 0 : i32
      %dma_wait3A_38 = tpu.memref_slice %arg3[%arg1, %dma_wait3A, %dma_wait3A_37] : memref<16x50x128xi32, #tpu.memory_space<hbm>> -> memref<1x50x128xi32, #tpu.memory_space<hbm>>
      %dma_wait3A_39 = tpu.memref_squeeze %dma_wait3A_38 : memref<1x50x128xi32, #tpu.memory_space<hbm>> -> memref<50x128xi32, #tpu.memory_space<hbm>>
      %dma_wait3A_40 = arith.constant 0 : i32
      %dma_wait3A_41 = arith.constant 0 : i32
      %dma_wait3A_42 = tpu.memref_slice %arg3[%arg1, %dma_wait3A_40, %dma_wait3A_41] : memref<16x50x128xi32, #tpu.memory_space<hbm>> -> memref<1x50x128xi32, #tpu.memory_space<hbm>>
      %dma_wait3A_43 = tpu.memref_squeeze %dma_wait3A_42 : memref<1x50x128xi32, #tpu.memory_space<hbm>> -> memref<50x128xi32, #tpu.memory_space<hbm>>
      tpu.wait_dma2 semaphore(%run_scoped3A : memref<!tpu.dma_semaphore, #tpu.memory_space<semaphore_mem>>) src(%dma_wait3A_43 : memref<50x128xi32, #tpu.memory_space<hbm>>) dst(%arg5 : memref<50x128xi32, #tpu.memory_space<vmem>>)
      tpu.yield
    }) : () -> ()
    %gt3A = arith.constant 0 : i32
    %gt3A_8 = arith.cmpi sgt, %select_n3A_7, %gt3A : i32
    %convert_element_type3A = arith.extui %gt3A_8 : i1 to i32
    %cond3A = arith.constant 0 : i32
    %cond3A_9 = arith.cmpi ne, %convert_element_type3A, %cond3A : i32
    scf.if %cond3A_9 {
      %add3A_30 = arith.constant 0 : i32
      %add3A_31 = arith.addi %select_n3A, %add3A_30 : i32
      %dma_start3A = arith.constant 0 : i32
      %dma_start3A_32 = arith.constant 0 : i32
      %dma_start3A_33 = arith.constant 0 : i32
      %dma_start3A_34 = arith.constant 0 : i32
      %dma_start3A_35 = tpu.memref_slice %arg6[%dma_start3A, %dma_start3A_33, %dma_start3A_34] : memref<6x128x128xf32, #tpu.memory_space<vmem>> -> memref<1x128x128xf32, #tpu.memory_space<vmem>>
      %dma_start3A_36 = tpu.memref_squeeze %dma_start3A_35 : memref<1x128x128xf32, #tpu.memory_space<vmem>> -> memref<128x128xf32, #tpu.memory_space<vmem>>
      %dma_start3A_37 = arith.constant 0 : i32
      %dma_start3A_38 = tpu.memref_slice %arg5[%add3A_31, %dma_start3A_37] : memref<50x128xi32, #tpu.memory_space<vmem>> -> memref<1x128xi32, #tpu.memory_space<vmem>>
      %dma_start3A_39 = tpu.memref_squeeze %dma_start3A_38 : memref<1x128xi32, #tpu.memory_space<vmem>> -> memref<128xi32, #tpu.memory_space<vmem>>
      %dma_start3A_40 = arith.constant 0 : i32
      %dma_start3A_41 = arith.constant 0 : i32
      %dma_start3A_42 = tpu.memref_slice %arg2[%dma_start3A_40, %dma_start3A_41] : memref<100000x128xf32, #tpu.memory_space<hbm>> -> memref<100000x128xf32, #tpu.memory_space<hbm>>
      %dma_start3A_43 = tpu.memref_slice %arg7[%dma_start3A_32] : memref<6x!tpu.dma_semaphore, #tpu.memory_space<semaphore_mem>> -> memref<1x!tpu.dma_semaphore, #tpu.memory_space<semaphore_mem>>
      %dma_start3A_44 = tpu.memref_squeeze %dma_start3A_43 : memref<1x!tpu.dma_semaphore, #tpu.memory_space<semaphore_mem>> -> memref<!tpu.dma_semaphore, #tpu.memory_space<semaphore_mem>>
      tpu.enqueue_indirect_dma source(%dma_start3A_42 : memref<100000x128xf32, #tpu.memory_space<hbm>>) target(%dma_start3A_36 : memref<128x128xf32, #tpu.memory_space<vmem>>) offsets(%dma_start3A_39 : memref<128xi32, #tpu.memory_space<vmem>>) semaphore(%dma_start3A_44 : memref<!tpu.dma_semaphore, #tpu.memory_space<semaphore_mem>>)
      %add3A_45 = arith.constant 1 : i32
      %add3A_46 = arith.addi %select_n3A, %add3A_45 : i32
      %dma_start3A_47 = arith.constant 1 : i32
      %dma_start3A_48 = arith.constant 1 : i32
      %dma_start3A_49 = arith.constant 0 : i32
      %dma_start3A_50 = arith.constant 0 : i32
      %dma_start3A_51 = tpu.memref_slice %arg6[%dma_start3A_47, %dma_start3A_49, %dma_start3A_50] : memref<6x128x128xf32, #tpu.memory_space<vmem>> -> memref<1x128x128xf32, #tpu.memory_space<vmem>>
      %dma_start3A_52 = tpu.memref_squeeze %dma_start3A_51 : memref<1x128x128xf32, #tpu.memory_space<vmem>> -> memref<128x128xf32, #tpu.memory_space<vmem>>
      %dma_start3A_53 = arith.constant 0 : i32
      %dma_start3A_54 = tpu.memref_slice %arg5[%add3A_46, %dma_start3A_53] : memref<50x128xi32, #tpu.memory_space<vmem>> -> memref<1x128xi32, #tpu.memory_space<vmem>>
      %dma_start3A_55 = tpu.memref_squeeze %dma_start3A_54 : memref<1x128xi32, #tpu.memory_space<vmem>> -> memref<128xi32, #tpu.memory_space<vmem>>
      %dma_start3A_56 = arith.constant 0 : i32
      %dma_start3A_57 = arith.constant 0 : i32
      %dma_start3A_58 = tpu.memref_slice %arg2[%dma_start3A_56, %dma_start3A_57] : memref<100000x128xf32, #tpu.memory_space<hbm>> -> memref<100000x128xf32, #tpu.memory_space<hbm>>
      %dma_start3A_59 = tpu.memref_slice %arg7[%dma_start3A_48] : memref<6x!tpu.dma_semaphore, #tpu.memory_space<semaphore_mem>> -> memref<1x!tpu.dma_semaphore, #tpu.memory_space<semaphore_mem>>
      %dma_start3A_60 = tpu.memref_squeeze %dma_start3A_59 : memref<1x!tpu.dma_semaphore, #tpu.memory_space<semaphore_mem>> -> memref<!tpu.dma_semaphore, #tpu.memory_space<semaphore_mem>>
      tpu.enqueue_indirect_dma source(%dma_start3A_58 : memref<100000x128xf32, #tpu.memory_space<hbm>>) target(%dma_start3A_52 : memref<128x128xf32, #tpu.memory_space<vmem>>) offsets(%dma_start3A_55 : memref<128xi32, #tpu.memory_space<vmem>>) semaphore(%dma_start3A_60 : memref<!tpu.dma_semaphore, #tpu.memory_space<semaphore_mem>>)
      %add3A_61 = arith.constant 2 : i32
      %add3A_62 = arith.addi %select_n3A, %add3A_61 : i32
      %dma_start3A_63 = arith.constant 2 : i32
      %dma_start3A_64 = arith.constant 2 : i32
      %dma_start3A_65 = arith.constant 0 : i32
      %dma_start3A_66 = arith.constant 0 : i32
      %dma_start3A_67 = tpu.memref_slice %arg6[%dma_start3A_63, %dma_start3A_65, %dma_start3A_66] : memref<6x128x128xf32, #tpu.memory_space<vmem>> -> memref<1x128x128xf32, #tpu.memory_space<vmem>>
      %dma_start3A_68 = tpu.memref_squeeze %dma_start3A_67 : memref<1x128x128xf32, #tpu.memory_space<vmem>> -> memref<128x128xf32, #tpu.memory_space<vmem>>
      %dma_start3A_69 = arith.constant 0 : i32
      %dma_start3A_70 = tpu.memref_slice %arg5[%add3A_62, %dma_start3A_69] : memref<50x128xi32, #tpu.memory_space<vmem>> -> memref<1x128xi32, #tpu.memory_space<vmem>>
      %dma_start3A_71 = tpu.memref_squeeze %dma_start3A_70 : memref<1x128xi32, #tpu.memory_space<vmem>> -> memref<128xi32, #tpu.memory_space<vmem>>
      %dma_start3A_72 = arith.constant 0 : i32
      %dma_start3A_73 = arith.constant 0 : i32
      %dma_start3A_74 = tpu.memref_slice %arg2[%dma_start3A_72, %dma_start3A_73] : memref<100000x128xf32, #tpu.memory_space<hbm>> -> memref<100000x128xf32, #tpu.memory_space<hbm>>
      %dma_start3A_75 = tpu.memref_slice %arg7[%dma_start3A_64] : memref<6x!tpu.dma_semaphore, #tpu.memory_space<semaphore_mem>> -> memref<1x!tpu.dma_semaphore, #tpu.memory_space<semaphore_mem>>
      %dma_start3A_76 = tpu.memref_squeeze %dma_start3A_75 : memref<1x!tpu.dma_semaphore, #tpu.memory_space<semaphore_mem>> -> memref<!tpu.dma_semaphore, #tpu.memory_space<semaphore_mem>>
      tpu.enqueue_indirect_dma source(%dma_start3A_74 : memref<100000x128xf32, #tpu.memory_space<hbm>>) target(%dma_start3A_68 : memref<128x128xf32, #tpu.memory_space<vmem>>) offsets(%dma_start3A_71 : memref<128xi32, #tpu.memory_space<vmem>>) semaphore(%dma_start3A_76 : memref<!tpu.dma_semaphore, #tpu.memory_space<semaphore_mem>>)
      %add3A_77 = arith.constant 3 : i32
      %add3A_78 = arith.addi %select_n3A, %add3A_77 : i32
      %dma_start3A_79 = arith.constant 3 : i32
      %dma_start3A_80 = arith.constant 3 : i32
      %dma_start3A_81 = arith.constant 0 : i32
      %dma_start3A_82 = arith.constant 0 : i32
      %dma_start3A_83 = tpu.memref_slice %arg6[%dma_start3A_79, %dma_start3A_81, %dma_start3A_82] : memref<6x128x128xf32, #tpu.memory_space<vmem>> -> memref<1x128x128xf32, #tpu.memory_space<vmem>>
      %dma_start3A_84 = tpu.memref_squeeze %dma_start3A_83 : memref<1x128x128xf32, #tpu.memory_space<vmem>> -> memref<128x128xf32, #tpu.memory_space<vmem>>
      %dma_start3A_85 = arith.constant 0 : i32
      %dma_start3A_86 = tpu.memref_slice %arg5[%add3A_78, %dma_start3A_85] : memref<50x128xi32, #tpu.memory_space<vmem>> -> memref<1x128xi32, #tpu.memory_space<vmem>>
      %dma_start3A_87 = tpu.memref_squeeze %dma_start3A_86 : memref<1x128xi32, #tpu.memory_space<vmem>> -> memref<128xi32, #tpu.memory_space<vmem>>
      %dma_start3A_88 = arith.constant 0 : i32
      %dma_start3A_89 = arith.constant 0 : i32
      %dma_start3A_90 = tpu.memref_slice %arg2[%dma_start3A_88, %dma_start3A_89] : memref<100000x128xf32, #tpu.memory_space<hbm>> -> memref<100000x128xf32, #tpu.memory_space<hbm>>
      %dma_start3A_91 = tpu.memref_slice %arg7[%dma_start3A_80] : memref<6x!tpu.dma_semaphore, #tpu.memory_space<semaphore_mem>> -> memref<1x!tpu.dma_semaphore, #tpu.memory_space<semaphore_mem>>
      %dma_start3A_92 = tpu.memref_squeeze %dma_start3A_91 : memref<1x!tpu.dma_semaphore, #tpu.memory_space<semaphore_mem>> -> memref<!tpu.dma_semaphore, #tpu.memory_space<semaphore_mem>>
      tpu.enqueue_indirect_dma source(%dma_start3A_90 : memref<100000x128xf32, #tpu.memory_space<hbm>>) target(%dma_start3A_84 : memref<128x128xf32, #tpu.memory_space<vmem>>) offsets(%dma_start3A_87 : memref<128xi32, #tpu.memory_space<vmem>>) semaphore(%dma_start3A_92 : memref<!tpu.dma_semaphore, #tpu.memory_space<semaphore_mem>>)
      %add3A_93 = arith.constant 4 : i32
      %add3A_94 = arith.addi %select_n3A, %add3A_93 : i32
      %dma_start3A_95 = arith.constant 4 : i32
      %dma_start3A_96 = arith.constant 4 : i32
      %dma_start3A_97 = arith.constant 0 : i32
      %dma_start3A_98 = arith.constant 0 : i32
      %dma_start3A_99 = tpu.memref_slice %arg6[%dma_start3A_95, %dma_start3A_97, %dma_start3A_98] : memref<6x128x128xf32, #tpu.memory_space<vmem>> -> memref<1x128x128xf32, #tpu.memory_space<vmem>>
      %dma_start3A_100 = tpu.memref_squeeze %dma_start3A_99 : memref<1x128x128xf32, #tpu.memory_space<vmem>> -> memref<128x128xf32, #tpu.memory_space<vmem>>
      %dma_start3A_101 = arith.constant 0 : i32
      %dma_start3A_102 = tpu.memref_slice %arg5[%add3A_94, %dma_start3A_101] : memref<50x128xi32, #tpu.memory_space<vmem>> -> memref<1x128xi32, #tpu.memory_space<vmem>>
      %dma_start3A_103 = tpu.memref_squeeze %dma_start3A_102 : memref<1x128xi32, #tpu.memory_space<vmem>> -> memref<128xi32, #tpu.memory_space<vmem>>
      %dma_start3A_104 = arith.constant 0 : i32
      %dma_start3A_105 = arith.constant 0 : i32
      %dma_start3A_106 = tpu.memref_slice %arg2[%dma_start3A_104, %dma_start3A_105] : memref<100000x128xf32, #tpu.memory_space<hbm>> -> memref<100000x128xf32, #tpu.memory_space<hbm>>
      %dma_start3A_107 = tpu.memref_slice %arg7[%dma_start3A_96] : memref<6x!tpu.dma_semaphore, #tpu.memory_space<semaphore_mem>> -> memref<1x!tpu.dma_semaphore, #tpu.memory_space<semaphore_mem>>
      %dma_start3A_108 = tpu.memref_squeeze %dma_start3A_107 : memref<1x!tpu.dma_semaphore, #tpu.memory_space<semaphore_mem>> -> memref<!tpu.dma_semaphore, #tpu.memory_space<semaphore_mem>>
      tpu.enqueue_indirect_dma source(%dma_start3A_106 : memref<100000x128xf32, #tpu.memory_space<hbm>>) target(%dma_start3A_100 : memref<128x128xf32, #tpu.memory_space<vmem>>) offsets(%dma_start3A_103 : memref<128xi32, #tpu.memory_space<vmem>>) semaphore(%dma_start3A_108 : memref<!tpu.dma_semaphore, #tpu.memory_space<semaphore_mem>>)
    } else {
    }
    %while3A = arith.constant 0 : i32
    %while3A_10 = arith.constant 0 : i32
    %while3A_11 = arith.subi %select_n3A_7, %while3A_10 : i32
    %while3A_12 = arith.addi %while3A_10, %while3A_11 : i32
    %while3A_13 = arith.constant 1 : i32
    %while3A_14 = arith.divsi %while3A_11, %while3A_13 : i32
    %while3A_15 = arith.muli %while3A_14, %while3A_13 : i32
    %while3A_16 = arith.addi %while3A_10, %while3A_15 : i32
    %while3A_17 = arith.constant 1 : i32
    scf.for %while3A_30 = %while3A_10 to %while3A_16 step %while3A_17  : i32 {
      %rem3A = arith.constant 6 : i32
      %rem3A_31 = arith.remsi %while3A_30, %rem3A : i32
      %add3A_32 = arith.constant 6 : i32
      %add3A_33 = arith.addi %while3A_30, %add3A_32 : i32
      %sub3A_34 = arith.constant 1 : i32
      %sub3A_35 = arith.subi %add3A_33, %sub3A_34 : i32
      %rem3A_36 = arith.constant 6 : i32
      %rem3A_37 = arith.remsi %sub3A_35, %rem3A_36 : i32
      %lt3A = arith.cmpi slt, %sub3A_35, %select_n3A_7 : i32
      %convert_element_type3A_38 = arith.extui %lt3A : i1 to i32
      %cond3A_39 = arith.constant 0 : i32
      %cond3A_40 = arith.cmpi ne, %convert_element_type3A_38, %cond3A_39 : i32
      scf.if %cond3A_40 {
        %ge3A = arith.constant 1 : i32
        %ge3A_69 = arith.cmpi sge, %while3A_30, %ge3A : i32
        %convert_element_type3A_70 = arith.extui %ge3A_69 : i1 to i32
        %cond3A_71 = arith.constant 0 : i32
        %cond3A_72 = arith.cmpi ne, %convert_element_type3A_70, %cond3A_71 : i32
        scf.if %cond3A_72 {
          %add3A_86 = arith.addi %add3A, %while3A_30 : i32
          %sub3A_87 = arith.constant 1 : i32
          %sub3A_88 = arith.subi %add3A_86, %sub3A_87 : i32
          %mul3A_89 = arith.constant 128 : i32
          %mul3A_90 = arith.muli %sub3A_88, %mul3A_89 : i32
          %dma_wait3A_91 = arith.constant 0 : i32
          %dma_wait3A_92 = arith.constant 0 : i32
          %dma_wait3A_93 = tpu.memref_slice %arg6[%rem3A_37, %dma_wait3A_91, %dma_wait3A_92] : memref<6x128x128xf32, #tpu.memory_space<vmem>> -> memref<1x128x128xf32, #tpu.memory_space<vmem>>
          %dma_wait3A_94 = tpu.memref_squeeze %dma_wait3A_93 : memref<1x128x128xf32, #tpu.memory_space<vmem>> -> memref<128x128xf32, #tpu.memory_space<vmem>>
          %dma_wait3A_95 = arith.constant 0 : i32
          %dma_wait3A_96 = tpu.memref_slice %arg4[%mul3A_90, %dma_wait3A_95] : memref<102400x128xf32, #tpu.memory_space<hbm>> -> memref<128x128xf32, #tpu.memory_space<hbm>>
          %dma_wait3A_97 = tpu.memref_slice %arg8[%rem3A_37] : memref<6x!tpu.dma_semaphore, #tpu.memory_space<semaphore_mem>> -> memref<1x!tpu.dma_semaphore, #tpu.memory_space<semaphore_mem>>
          %dma_wait3A_98 = tpu.memref_squeeze %dma_wait3A_97 : memref<1x!tpu.dma_semaphore, #tpu.memory_space<semaphore_mem>> -> memref<!tpu.dma_semaphore, #tpu.memory_space<semaphore_mem>>
          %dma_wait3A_99 = arith.constant 0 : i32
          %dma_wait3A_100 = tpu.memref_slice %arg4[%mul3A_90, %dma_wait3A_99] : memref<102400x128xf32, #tpu.memory_space<hbm>> -> memref<128x128xf32, #tpu.memory_space<hbm>>
          %dma_wait3A_101 = arith.constant 0 : i32
          %dma_wait3A_102 = arith.constant 0 : i32
          %dma_wait3A_103 = tpu.memref_slice %arg6[%rem3A_37, %dma_wait3A_101, %dma_wait3A_102] : memref<6x128x128xf32, #tpu.memory_space<vmem>> -> memref<1x128x128xf32, #tpu.memory_space<vmem>>
          %dma_wait3A_104 = tpu.memref_squeeze %dma_wait3A_103 : memref<1x128x128xf32, #tpu.memory_space<vmem>> -> memref<128x128xf32, #tpu.memory_space<vmem>>
          tpu.wait_dma2 semaphore(%dma_wait3A_98 : memref<!tpu.dma_semaphore, #tpu.memory_space<semaphore_mem>>) src(%dma_wait3A_104 : memref<128x128xf32, #tpu.memory_space<vmem>>) dst(%dma_wait3A_100 : memref<128x128xf32, #tpu.memory_space<hbm>>)
        } else {
        }
        %add3A_73 = arith.addi %select_n3A, %sub3A_35 : i32
        %dma_start3A_74 = arith.constant 0 : i32
        %dma_start3A_75 = arith.constant 0 : i32
        %dma_start3A_76 = tpu.memref_slice %arg6[%rem3A_37, %dma_start3A_74, %dma_start3A_75] : memref<6x128x128xf32, #tpu.memory_space<vmem>> -> memref<1x128x128xf32, #tpu.memory_space<vmem>>
        %dma_start3A_77 = tpu.memref_squeeze %dma_start3A_76 : memref<1x128x128xf32, #tpu.memory_space<vmem>> -> memref<128x128xf32, #tpu.memory_space<vmem>>
        %dma_start3A_78 = arith.constant 0 : i32
        %dma_start3A_79 = tpu.memref_slice %arg5[%add3A_73, %dma_start3A_78] : memref<50x128xi32, #tpu.memory_space<vmem>> -> memref<1x128xi32, #tpu.memory_space<vmem>>
        %dma_start3A_80 = tpu.memref_squeeze %dma_start3A_79 : memref<1x128xi32, #tpu.memory_space<vmem>> -> memref<128xi32, #tpu.memory_space<vmem>>
        %dma_start3A_81 = arith.constant 0 : i32
        %dma_start3A_82 = arith.constant 0 : i32
        %dma_start3A_83 = tpu.memref_slice %arg2[%dma_start3A_81, %dma_start3A_82] : memref<100000x128xf32, #tpu.memory_space<hbm>> -> memref<100000x128xf32, #tpu.memory_space<hbm>>
        %dma_start3A_84 = tpu.memref_slice %arg7[%rem3A_37] : memref<6x!tpu.dma_semaphore, #tpu.memory_space<semaphore_mem>> -> memref<1x!tpu.dma_semaphore, #tpu.memory_space<semaphore_mem>>
        %dma_start3A_85 = tpu.memref_squeeze %dma_start3A_84 : memref<1x!tpu.dma_semaphore, #tpu.memory_space<semaphore_mem>> -> memref<!tpu.dma_semaphore, #tpu.memory_space<semaphore_mem>>
        tpu.enqueue_indirect_dma source(%dma_start3A_83 : memref<100000x128xf32, #tpu.memory_space<hbm>>) target(%dma_start3A_77 : memref<128x128xf32, #tpu.memory_space<vmem>>) offsets(%dma_start3A_80 : memref<128xi32, #tpu.memory_space<vmem>>) semaphore(%dma_start3A_85 : memref<!tpu.dma_semaphore, #tpu.memory_space<semaphore_mem>>)
      } else {
      }
      %add3A_41 = arith.addi %select_n3A, %while3A_30 : i32
      %dma_wait3A = arith.constant 0 : i32
      %dma_wait3A_42 = arith.constant 0 : i32
      %dma_wait3A_43 = tpu.memref_slice %arg6[%rem3A_31, %dma_wait3A, %dma_wait3A_42] : memref<6x128x128xf32, #tpu.memory_space<vmem>> -> memref<1x128x128xf32, #tpu.memory_space<vmem>>
      %dma_wait3A_44 = tpu.memref_squeeze %dma_wait3A_43 : memref<1x128x128xf32, #tpu.memory_space<vmem>> -> memref<128x128xf32, #tpu.memory_space<vmem>>
      %dma_wait3A_45 = arith.constant 0 : i32
      %dma_wait3A_46 = tpu.memref_slice %arg5[%add3A_41, %dma_wait3A_45] : memref<50x128xi32, #tpu.memory_space<vmem>> -> memref<1x128xi32, #tpu.memory_space<vmem>>
      %dma_wait3A_47 = tpu.memref_squeeze %dma_wait3A_46 : memref<1x128xi32, #tpu.memory_space<vmem>> -> memref<128xi32, #tpu.memory_space<vmem>>
      %dma_wait3A_48 = arith.constant 0 : i32
      %dma_wait3A_49 = arith.constant 0 : i32
      %dma_wait3A_50 = tpu.memref_slice %arg2[%dma_wait3A_48, %dma_wait3A_49] : memref<100000x128xf32, #tpu.memory_space<hbm>> -> memref<100000x128xf32, #tpu.memory_space<hbm>>
      %dma_wait3A_51 = tpu.memref_slice %arg7[%rem3A_31] : memref<6x!tpu.dma_semaphore, #tpu.memory_space<semaphore_mem>> -> memref<1x!tpu.dma_semaphore, #tpu.memory_space<semaphore_mem>>
      %dma_wait3A_52 = tpu.memref_squeeze %dma_wait3A_51 : memref<1x!tpu.dma_semaphore, #tpu.memory_space<semaphore_mem>> -> memref<!tpu.dma_semaphore, #tpu.memory_space<semaphore_mem>>
      tpu.wait_indirect_dma semaphore(%dma_wait3A_52 : memref<!tpu.dma_semaphore, #tpu.memory_space<semaphore_mem>>) src(%dma_wait3A_50 : memref<100000x128xf32, #tpu.memory_space<hbm>>) dst(%dma_wait3A_44 : memref<128x128xf32, #tpu.memory_space<vmem>>)
      %add3A_53 = arith.addi %add3A, %while3A_30 : i32
      %mul3A_54 = arith.constant 128 : i32
      %mul3A_55 = arith.muli %add3A_53, %mul3A_54 : i32
      %dma_start3A = arith.constant 0 : i32
      %dma_start3A_56 = arith.constant 0 : i32
      %dma_start3A_57 = tpu.memref_slice %arg6[%rem3A_31, %dma_start3A, %dma_start3A_56] : memref<6x128x128xf32, #tpu.memory_space<vmem>> -> memref<1x128x128xf32, #tpu.memory_space<vmem>>
      %dma_start3A_58 = tpu.memref_squeeze %dma_start3A_57 : memref<1x128x128xf32, #tpu.memory_space<vmem>> -> memref<128x128xf32, #tpu.memory_space<vmem>>
      %dma_start3A_59 = arith.constant 0 : i32
      %dma_start3A_60 = tpu.memref_slice %arg4[%mul3A_55, %dma_start3A_59] : memref<102400x128xf32, #tpu.memory_space<hbm>> -> memref<128x128xf32, #tpu.memory_space<hbm>>
      %dma_start3A_61 = tpu.memref_slice %arg8[%rem3A_31] : memref<6x!tpu.dma_semaphore, #tpu.memory_space<semaphore_mem>> -> memref<1x!tpu.dma_semaphore, #tpu.memory_space<semaphore_mem>>
      %dma_start3A_62 = tpu.memref_squeeze %dma_start3A_61 : memref<1x!tpu.dma_semaphore, #tpu.memory_space<semaphore_mem>> -> memref<!tpu.dma_semaphore, #tpu.memory_space<semaphore_mem>>
      %dma_start3A_63 = arith.constant 0 : i32
      %dma_start3A_64 = tpu.memref_slice %arg4[%mul3A_55, %dma_start3A_63] : memref<102400x128xf32, #tpu.memory_space<hbm>> -> memref<128x128xf32, #tpu.memory_space<hbm>>
      %dma_start3A_65 = arith.constant 0 : i32
      %dma_start3A_66 = arith.constant 0 : i32
      %dma_start3A_67 = tpu.memref_slice %arg6[%rem3A_31, %dma_start3A_65, %dma_start3A_66] : memref<6x128x128xf32, #tpu.memory_space<vmem>> -> memref<1x128x128xf32, #tpu.memory_space<vmem>>
      %dma_start3A_68 = tpu.memref_squeeze %dma_start3A_67 : memref<1x128x128xf32, #tpu.memory_space<vmem>> -> memref<128x128xf32, #tpu.memory_space<vmem>>
      tpu.enqueue_dma source(%dma_start3A_68 : memref<128x128xf32, #tpu.memory_space<vmem>>) target(%dma_start3A_64 : memref<128x128xf32, #tpu.memory_space<hbm>>) target_semaphore(%dma_start3A_62 : memref<!tpu.dma_semaphore, #tpu.memory_space<semaphore_mem>>)
    }
    %while3A_18 = arith.constant 1 : i32
    scf.for %while3A_30 = %while3A_16 to %while3A_12 step %while3A_18  : i32 {
      %rem3A = arith.constant 6 : i32
      %rem3A_31 = arith.remsi %while3A_30, %rem3A : i32
      %add3A_32 = arith.constant 6 : i32
      %add3A_33 = arith.addi %while3A_30, %add3A_32 : i32
      %sub3A_34 = arith.constant 1 : i32
      %sub3A_35 = arith.subi %add3A_33, %sub3A_34 : i32
      %rem3A_36 = arith.constant 6 : i32
      %rem3A_37 = arith.remsi %sub3A_35, %rem3A_36 : i32
      %lt3A = arith.cmpi slt, %sub3A_35, %select_n3A_7 : i32
      %convert_element_type3A_38 = arith.extui %lt3A : i1 to i32
      %cond3A_39 = arith.constant 0 : i32
      %cond3A_40 = arith.cmpi ne, %convert_element_type3A_38, %cond3A_39 : i32
      scf.if %cond3A_40 {
        %ge3A = arith.constant 1 : i32
        %ge3A_69 = arith.cmpi sge, %while3A_30, %ge3A : i32
        %convert_element_type3A_70 = arith.extui %ge3A_69 : i1 to i32
        %cond3A_71 = arith.constant 0 : i32
        %cond3A_72 = arith.cmpi ne, %convert_element_type3A_70, %cond3A_71 : i32
        scf.if %cond3A_72 {
          %add3A_86 = arith.addi %add3A, %while3A_30 : i32
          %sub3A_87 = arith.constant 1 : i32
          %sub3A_88 = arith.subi %add3A_86, %sub3A_87 : i32
          %mul3A_89 = arith.constant 128 : i32
          %mul3A_90 = arith.muli %sub3A_88, %mul3A_89 : i32
          %dma_wait3A_91 = arith.constant 0 : i32
          %dma_wait3A_92 = arith.constant 0 : i32
          %dma_wait3A_93 = tpu.memref_slice %arg6[%rem3A_37, %dma_wait3A_91, %dma_wait3A_92] : memref<6x128x128xf32, #tpu.memory_space<vmem>> -> memref<1x128x128xf32, #tpu.memory_space<vmem>>
          %dma_wait3A_94 = tpu.memref_squeeze %dma_wait3A_93 : memref<1x128x128xf32, #tpu.memory_space<vmem>> -> memref<128x128xf32, #tpu.memory_space<vmem>>
          %dma_wait3A_95 = arith.constant 0 : i32
          %dma_wait3A_96 = tpu.memref_slice %arg4[%mul3A_90, %dma_wait3A_95] : memref<102400x128xf32, #tpu.memory_space<hbm>> -> memref<128x128xf32, #tpu.memory_space<hbm>>
          %dma_wait3A_97 = tpu.memref_slice %arg8[%rem3A_37] : memref<6x!tpu.dma_semaphore, #tpu.memory_space<semaphore_mem>> -> memref<1x!tpu.dma_semaphore, #tpu.memory_space<semaphore_mem>>
          %dma_wait3A_98 = tpu.memref_squeeze %dma_wait3A_97 : memref<1x!tpu.dma_semaphore, #tpu.memory_space<semaphore_mem>> -> memref<!tpu.dma_semaphore, #tpu.memory_space<semaphore_mem>>
          %dma_wait3A_99 = arith.constant 0 : i32
          %dma_wait3A_100 = tpu.memref_slice %arg4[%mul3A_90, %dma_wait3A_99] : memref<102400x128xf32, #tpu.memory_space<hbm>> -> memref<128x128xf32, #tpu.memory_space<hbm>>
          %dma_wait3A_101 = arith.constant 0 : i32
          %dma_wait3A_102 = arith.constant 0 : i32
          %dma_wait3A_103 = tpu.memref_slice %arg6[%rem3A_37, %dma_wait3A_101, %dma_wait3A_102] : memref<6x128x128xf32, #tpu.memory_space<vmem>> -> memref<1x128x128xf32, #tpu.memory_space<vmem>>
          %dma_wait3A_104 = tpu.memref_squeeze %dma_wait3A_103 : memref<1x128x128xf32, #tpu.memory_space<vmem>> -> memref<128x128xf32, #tpu.memory_space<vmem>>
          tpu.wait_dma2 semaphore(%dma_wait3A_98 : memref<!tpu.dma_semaphore, #tpu.memory_space<semaphore_mem>>) src(%dma_wait3A_104 : memref<128x128xf32, #tpu.memory_space<vmem>>) dst(%dma_wait3A_100 : memref<128x128xf32, #tpu.memory_space<hbm>>)
        } else {
        }
        %add3A_73 = arith.addi %select_n3A, %sub3A_35 : i32
        %dma_start3A_74 = arith.constant 0 : i32
        %dma_start3A_75 = arith.constant 0 : i32
        %dma_start3A_76 = tpu.memref_slice %arg6[%rem3A_37, %dma_start3A_74, %dma_start3A_75] : memref<6x128x128xf32, #tpu.memory_space<vmem>> -> memref<1x128x128xf32, #tpu.memory_space<vmem>>
        %dma_start3A_77 = tpu.memref_squeeze %dma_start3A_76 : memref<1x128x128xf32, #tpu.memory_space<vmem>> -> memref<128x128xf32, #tpu.memory_space<vmem>>
        %dma_start3A_78 = arith.constant 0 : i32
        %dma_start3A_79 = tpu.memref_slice %arg5[%add3A_73, %dma_start3A_78] : memref<50x128xi32, #tpu.memory_space<vmem>> -> memref<1x128xi32, #tpu.memory_space<vmem>>
        %dma_start3A_80 = tpu.memref_squeeze %dma_start3A_79 : memref<1x128xi32, #tpu.memory_space<vmem>> -> memref<128xi32, #tpu.memory_space<vmem>>
        %dma_start3A_81 = arith.constant 0 : i32
        %dma_start3A_82 = arith.constant 0 : i32
        %dma_start3A_83 = tpu.memref_slice %arg2[%dma_start3A_81, %dma_start3A_82] : memref<100000x128xf32, #tpu.memory_space<hbm>> -> memref<100000x128xf32, #tpu.memory_space<hbm>>
        %dma_start3A_84 = tpu.memref_slice %arg7[%rem3A_37] : memref<6x!tpu.dma_semaphore, #tpu.memory_space<semaphore_mem>> -> memref<1x!tpu.dma_semaphore, #tpu.memory_space<semaphore_mem>>
        %dma_start3A_85 = tpu.memref_squeeze %dma_start3A_84 : memref<1x!tpu.dma_semaphore, #tpu.memory_space<semaphore_mem>> -> memref<!tpu.dma_semaphore, #tpu.memory_space<semaphore_mem>>
        tpu.enqueue_indirect_dma source(%dma_start3A_83 : memref<100000x128xf32, #tpu.memory_space<hbm>>) target(%dma_start3A_77 : memref<128x128xf32, #tpu.memory_space<vmem>>) offsets(%dma_start3A_80 : memref<128xi32, #tpu.memory_space<vmem>>) semaphore(%dma_start3A_85 : memref<!tpu.dma_semaphore, #tpu.memory_space<semaphore_mem>>)
      } else {
      }
      %add3A_41 = arith.addi %select_n3A, %while3A_30 : i32
      %dma_wait3A = arith.constant 0 : i32
      %dma_wait3A_42 = arith.constant 0 : i32
      %dma_wait3A_43 = tpu.memref_slice %arg6[%rem3A_31, %dma_wait3A, %dma_wait3A_42] : memref<6x128x128xf32, #tpu.memory_space<vmem>> -> memref<1x128x128xf32, #tpu.memory_space<vmem>>
      %dma_wait3A_44 = tpu.memref_squeeze %dma_wait3A_43 : memref<1x128x128xf32, #tpu.memory_space<vmem>> -> memref<128x128xf32, #tpu.memory_space<vmem>>
      %dma_wait3A_45 = arith.constant 0 : i32
      %dma_wait3A_46 = tpu.memref_slice %arg5[%add3A_41, %dma_wait3A_45] : memref<50x128xi32, #tpu.memory_space<vmem>> -> memref<1x128xi32, #tpu.memory_space<vmem>>
      %dma_wait3A_47 = tpu.memref_squeeze %dma_wait3A_46 : memref<1x128xi32, #tpu.memory_space<vmem>> -> memref<128xi32, #tpu.memory_space<vmem>>
      %dma_wait3A_48 = arith.constant 0 : i32
      %dma_wait3A_49 = arith.constant 0 : i32
      %dma_wait3A_50 = tpu.memref_slice %arg2[%dma_wait3A_48, %dma_wait3A_49] : memref<100000x128xf32, #tpu.memory_space<hbm>> -> memref<100000x128xf32, #tpu.memory_space<hbm>>
      %dma_wait3A_51 = tpu.memref_slice %arg7[%rem3A_31] : memref<6x!tpu.dma_semaphore, #tpu.memory_space<semaphore_mem>> -> memref<1x!tpu.dma_semaphore, #tpu.memory_space<semaphore_mem>>
      %dma_wait3A_52 = tpu.memref_squeeze %dma_wait3A_51 : memref<1x!tpu.dma_semaphore, #tpu.memory_space<semaphore_mem>> -> memref<!tpu.dma_semaphore, #tpu.memory_space<semaphore_mem>>
      tpu.wait_indirect_dma semaphore(%dma_wait3A_52 : memref<!tpu.dma_semaphore, #tpu.memory_space<semaphore_mem>>) src(%dma_wait3A_50 : memref<100000x128xf32, #tpu.memory_space<hbm>>) dst(%dma_wait3A_44 : memref<128x128xf32, #tpu.memory_space<vmem>>)
      %add3A_53 = arith.addi %add3A, %while3A_30 : i32
      %mul3A_54 = arith.constant 128 : i32
      %mul3A_55 = arith.muli %add3A_53, %mul3A_54 : i32
      %dma_start3A = arith.constant 0 : i32
      %dma_start3A_56 = arith.constant 0 : i32
      %dma_start3A_57 = tpu.memref_slice %arg6[%rem3A_31, %dma_start3A, %dma_start3A_56] : memref<6x128x128xf32, #tpu.memory_space<vmem>> -> memref<1x128x128xf32, #tpu.memory_space<vmem>>
      %dma_start3A_58 = tpu.memref_squeeze %dma_start3A_57 : memref<1x128x128xf32, #tpu.memory_space<vmem>> -> memref<128x128xf32, #tpu.memory_space<vmem>>
      %dma_start3A_59 = arith.constant 0 : i32
      %dma_start3A_60 = tpu.memref_slice %arg4[%mul3A_55, %dma_start3A_59] : memref<102400x128xf32, #tpu.memory_space<hbm>> -> memref<128x128xf32, #tpu.memory_space<hbm>>
      %dma_start3A_61 = tpu.memref_slice %arg8[%rem3A_31] : memref<6x!tpu.dma_semaphore, #tpu.memory_space<semaphore_mem>> -> memref<1x!tpu.dma_semaphore, #tpu.memory_space<semaphore_mem>>
      %dma_start3A_62 = tpu.memref_squeeze %dma_start3A_61 : memref<1x!tpu.dma_semaphore, #tpu.memory_space<semaphore_mem>> -> memref<!tpu.dma_semaphore, #tpu.memory_space<semaphore_mem>>
      %dma_start3A_63 = arith.constant 0 : i32
      %dma_start3A_64 = tpu.memref_slice %arg4[%mul3A_55, %dma_start3A_63] : memref<102400x128xf32, #tpu.memory_space<hbm>> -> memref<128x128xf32, #tpu.memory_space<hbm>>
      %dma_start3A_65 = arith.constant 0 : i32
      %dma_start3A_66 = arith.constant 0 : i32
      %dma_start3A_67 = tpu.memref_slice %arg6[%rem3A_31, %dma_start3A_65, %dma_start3A_66] : memref<6x128x128xf32, #tpu.memory_space<vmem>> -> memref<1x128x128xf32, #tpu.memory_space<vmem>>
      %dma_start3A_68 = tpu.memref_squeeze %dma_start3A_67 : memref<1x128x128xf32, #tpu.memory_space<vmem>> -> memref<128x128xf32, #tpu.memory_space<vmem>>
      tpu.enqueue_dma source(%dma_start3A_68 : memref<128x128xf32, #tpu.memory_space<vmem>>) target(%dma_start3A_64 : memref<128x128xf32, #tpu.memory_space<hbm>>) target_semaphore(%dma_start3A_62 : memref<!tpu.dma_semaphore, #tpu.memory_space<semaphore_mem>>)
    }
    %sub3A = arith.constant 6 : i32
    %sub3A_19 = arith.subi %select_n3A_7, %sub3A : i32
    %max3A = arith.constant 0 : i32
    %max3A_20 = arith.maxsi %max3A, %sub3A_19 : i32
    %while3A_21 = arith.constant 0 : i32
    %while3A_22 = arith.subi %select_n3A_7, %max3A_20 : i32
    %while3A_23 = arith.addi %max3A_20, %while3A_22 : i32
    %while3A_24 = arith.constant 1 : i32
    %while3A_25 = arith.divsi %while3A_22, %while3A_24 : i32
    %while3A_26 = arith.muli %while3A_25, %while3A_24 : i32
    %while3A_27 = arith.addi %max3A_20, %while3A_26 : i32
    %while3A_28 = arith.constant 1 : i32
    scf.for %while3A_30 = %max3A_20 to %while3A_27 step %while3A_28  : i32 {
      %rem3A = arith.constant 6 : i32
      %rem3A_31 = arith.remsi %while3A_30, %rem3A : i32
      %add3A_32 = arith.addi %add3A, %while3A_30 : i32
      %mul3A_33 = arith.constant 128 : i32
      %mul3A_34 = arith.muli %add3A_32, %mul3A_33 : i32
      %dma_wait3A = arith.constant 0 : i32
      %dma_wait3A_35 = arith.constant 0 : i32
      %dma_wait3A_36 = tpu.memref_slice %arg6[%rem3A_31, %dma_wait3A, %dma_wait3A_35] : memref<6x128x128xf32, #tpu.memory_space<vmem>> -> memref<1x128x128xf32, #tpu.memory_space<vmem>>
      %dma_wait3A_37 = tpu.memref_squeeze %dma_wait3A_36 : memref<1x128x128xf32, #tpu.memory_space<vmem>> -> memref<128x128xf32, #tpu.memory_space<vmem>>
      %dma_wait3A_38 = arith.constant 0 : i32
      %dma_wait3A_39 = tpu.memref_slice %arg4[%mul3A_34, %dma_wait3A_38] : memref<102400x128xf32, #tpu.memory_space<hbm>> -> memref<128x128xf32, #tpu.memory_space<hbm>>
      %dma_wait3A_40 = tpu.memref_slice %arg8[%rem3A_31] : memref<6x!tpu.dma_semaphore, #tpu.memory_space<semaphore_mem>> -> memref<1x!tpu.dma_semaphore, #tpu.memory_space<semaphore_mem>>
      %dma_wait3A_41 = tpu.memref_squeeze %dma_wait3A_40 : memref<1x!tpu.dma_semaphore, #tpu.memory_space<semaphore_mem>> -> memref<!tpu.dma_semaphore, #tpu.memory_space<semaphore_mem>>
      %dma_wait3A_42 = arith.constant 0 : i32
      %dma_wait3A_43 = tpu.memref_slice %arg4[%mul3A_34, %dma_wait3A_42] : memref<102400x128xf32, #tpu.memory_space<hbm>> -> memref<128x128xf32, #tpu.memory_space<hbm>>
      %dma_wait3A_44 = arith.constant 0 : i32
      %dma_wait3A_45 = arith.constant 0 : i32
      %dma_wait3A_46 = tpu.memref_slice %arg6[%rem3A_31, %dma_wait3A_44, %dma_wait3A_45] : memref<6x128x128xf32, #tpu.memory_space<vmem>> -> memref<1x128x128xf32, #tpu.memory_space<vmem>>
      %dma_wait3A_47 = tpu.memref_squeeze %dma_wait3A_46 : memref<1x128x128xf32, #tpu.memory_space<vmem>> -> memref<128x128xf32, #tpu.memory_space<vmem>>
      tpu.wait_dma2 semaphore(%dma_wait3A_41 : memref<!tpu.dma_semaphore, #tpu.memory_space<semaphore_mem>>) src(%dma_wait3A_47 : memref<128x128xf32, #tpu.memory_space<vmem>>) dst(%dma_wait3A_43 : memref<128x128xf32, #tpu.memory_space<hbm>>)
    }
    %while3A_29 = arith.constant 1 : i32
    scf.for %while3A_30 = %while3A_27 to %while3A_23 step %while3A_29  : i32 {
      %rem3A = arith.constant 6 : i32
      %rem3A_31 = arith.remsi %while3A_30, %rem3A : i32
      %add3A_32 = arith.addi %add3A, %while3A_30 : i32
      %mul3A_33 = arith.constant 128 : i32
      %mul3A_34 = arith.muli %add3A_32, %mul3A_33 : i32
      %dma_wait3A = arith.constant 0 : i32
      %dma_wait3A_35 = arith.constant 0 : i32
      %dma_wait3A_36 = tpu.memref_slice %arg6[%rem3A_31, %dma_wait3A, %dma_wait3A_35] : memref<6x128x128xf32, #tpu.memory_space<vmem>> -> memref<1x128x128xf32, #tpu.memory_space<vmem>>
      %dma_wait3A_37 = tpu.memref_squeeze %dma_wait3A_36 : memref<1x128x128xf32, #tpu.memory_space<vmem>> -> memref<128x128xf32, #tpu.memory_space<vmem>>
      %dma_wait3A_38 = arith.constant 0 : i32
      %dma_wait3A_39 = tpu.memref_slice %arg4[%mul3A_34, %dma_wait3A_38] : memref<102400x128xf32, #tpu.memory_space<hbm>> -> memref<128x128xf32, #tpu.memory_space<hbm>>
      %dma_wait3A_40 = tpu.memref_slice %arg8[%rem3A_31] : memref<6x!tpu.dma_semaphore, #tpu.memory_space<semaphore_mem>> -> memref<1x!tpu.dma_semaphore, #tpu.memory_space<semaphore_mem>>
      %dma_wait3A_41 = tpu.memref_squeeze %dma_wait3A_40 : memref<1x!tpu.dma_semaphore, #tpu.memory_space<semaphore_mem>> -> memref<!tpu.dma_semaphore, #tpu.memory_space<semaphore_mem>>
      %dma_wait3A_42 = arith.constant 0 : i32
      %dma_wait3A_43 = tpu.memref_slice %arg4[%mul3A_34, %dma_wait3A_42] : memref<102400x128xf32, #tpu.memory_space<hbm>> -> memref<128x128xf32, #tpu.memory_space<hbm>>
      %dma_wait3A_44 = arith.constant 0 : i32
      %dma_wait3A_45 = arith.constant 0 : i32
      %dma_wait3A_46 = tpu.memref_slice %arg6[%rem3A_31, %dma_wait3A_44, %dma_wait3A_45] : memref<6x128x128xf32, #tpu.memory_space<vmem>> -> memref<1x128x128xf32, #tpu.memory_space<vmem>>
      %dma_wait3A_47 = tpu.memref_squeeze %dma_wait3A_46 : memref<1x128x128xf32, #tpu.memory_space<vmem>> -> memref<128x128xf32, #tpu.memory_space<vmem>>
      tpu.wait_dma2 semaphore(%dma_wait3A_41 : memref<!tpu.dma_semaphore, #tpu.memory_space<semaphore_mem>>) src(%dma_wait3A_47 : memref<128x128xf32, #tpu.memory_space<vmem>>) dst(%dma_wait3A_43 : memref<128x128xf32, #tpu.memory_space<hbm>>)
    }
    return
  }
}

module attributes {stable_mosaic.version = 14 : i64} {
  func.func @body(%arg0: i32, %arg1: memref<2000x128xf32, #tpu.memory_space<vmem>>, %arg2: memref<2000x128xf32, #tpu.memory_space<vmem>>, %arg3: memref<128x128xf32, #tpu.memory_space<vmem>>, %arg4: memref<128x128xf32, #tpu.memory_space<vmem>>, %arg5: memref<1x128xf32, #tpu.memory_space<vmem>>, %arg6: memref<2000x128xf32, #tpu.memory_space<vmem>>) attributes {dimension_semantics = [#tpu.dimension_semantics<arbitrary>], iteration_bounds = array<i64: 50>, scalar_prefetch = 0 : i64, scratch_operands = 0 : i64, tpu.core_type = #tpu.core_type<tc>, window_params = [{transform_indices = @transform_0, window_bounds = array<i64: 2000, 128>}, {transform_indices = @transform_1, window_bounds = array<i64: 2000, 128>}, {pipeline_mode = #tpu.pipeline_mode<synchronous>, transform_indices = @transform_2, window_bounds = array<i64: 128, 128>}, {pipeline_mode = #tpu.pipeline_mode<synchronous>, transform_indices = @transform_3, window_bounds = array<i64: 128, 128>}, {pipeline_mode = #tpu.pipeline_mode<synchronous>, transform_indices = @transform_4, window_bounds = array<i64: 1, 128>}, {transform_indices = @transform_5, window_bounds = array<i64: 2000, 128>}]} {
    %get3A = arith.constant 0 : index
    %get3A_0 = arith.constant 0 : index
    %get3A_1 = vector.load %arg1[%get3A, %get3A_0] : memref<2000x128xf32, #tpu.memory_space<vmem>>, vector<2000x128xf32>
    %get3A_2 = arith.constant 0 : index
    %get3A_3 = arith.constant 0 : index
    %get3A_4 = vector.load %arg3[%get3A_2, %get3A_3] : memref<128x128xf32, #tpu.memory_space<vmem>>, vector<128x128xf32>
    %dot_general3A = arith.constant dense<0.000000e+00> : vector<2000x128xf32>
    %dot_general3A_5 = tpu.matmul %get3A_1, %get3A_4, %dot_general3A {dimension_numbers = #tpu.dot_dimension_numbers<[1], [0], [0], [1], [0, 0, 1, 1], [], []>, transpose_lhs_hint = false} : vector<2000x128xf32>, vector<128x128xf32>, vector<2000x128xf32> -> vector<2000x128xf32>
    %get3A_6 = arith.constant 0 : index
    %get3A_7 = arith.constant 0 : index
    %get3A_8 = vector.load %arg2[%get3A_6, %get3A_7] : memref<2000x128xf32, #tpu.memory_space<vmem>>, vector<2000x128xf32>
    %get3A_9 = arith.constant 0 : index
    %get3A_10 = arith.constant 0 : index
    %get3A_11 = vector.load %arg4[%get3A_9, %get3A_10] : memref<128x128xf32, #tpu.memory_space<vmem>>, vector<128x128xf32>
    %dot_general3A_12 = arith.constant dense<0.000000e+00> : vector<2000x128xf32>
    %dot_general3A_13 = tpu.matmul %get3A_8, %get3A_11, %dot_general3A_12 {dimension_numbers = #tpu.dot_dimension_numbers<[1], [0], [0], [1], [0, 0, 1, 1], [], []>, transpose_lhs_hint = false} : vector<2000x128xf32>, vector<128x128xf32>, vector<2000x128xf32> -> vector<2000x128xf32>
    %add3A = arith.addf %dot_general3A_5, %dot_general3A_13 : vector<2000x128xf32>
    %get3A_14 = arith.constant 0 : index
    %get3A_15 = arith.constant 0 : index
    %get3A_16 = vector.load %arg5[%get3A_14, %get3A_15] : memref<1x128xf32, #tpu.memory_space<vmem>>, vector<1x128xf32>
    %add3A_17 = vector.broadcast %get3A_16 : vector<1x128xf32> to vector<2000x128xf32>
    %add3A_18 = arith.addf %add3A, %add3A_17 : vector<2000x128xf32>
    %swap3A = arith.constant 0 : index
    %swap3A_19 = arith.constant 0 : index
    %swap3A_20 = vector.load %arg6[%swap3A, %swap3A_19] : memref<2000x128xf32, #tpu.memory_space<vmem>>, vector<2000x128xf32>
    tpu.vector_store %arg6[%swap3A, %swap3A_19], %add3A_18 {strides = array<i32>} : memref<2000x128xf32, #tpu.memory_space<vmem>>, vector<2000x128xf32>,
    return
  }
  func.func @transform_0(%arg0: i32) -> (i32, i32) {
    %c0_i32 = arith.constant 0 : i32
    %c0_i32_0 = arith.constant 0 : i32
    return %arg0, %c0_i32 : i32, i32
  }
  func.func @transform_1(%arg0: i32) -> (i32, i32) {
    %c0_i32 = arith.constant 0 : i32
    %c0_i32_0 = arith.constant 0 : i32
    return %arg0, %c0_i32 : i32, i32
  }
  func.func @transform_2(%arg0: i32) -> (i32, i32) {
    %c0_i32 = arith.constant 0 : i32
    %c0_i32_0 = arith.constant 0 : i32
    %c0_i32_1 = arith.constant 0 : i32
    return %c0_i32, %c0_i32_0 : i32, i32
  }
  func.func @transform_3(%arg0: i32) -> (i32, i32) {
    %c0_i32 = arith.constant 0 : i32
    %c0_i32_0 = arith.constant 0 : i32
    %c0_i32_1 = arith.constant 0 : i32
    return %c0_i32, %c0_i32_0 : i32, i32
  }
  func.func @transform_4(%arg0: i32) -> (i32, i32) {
    %c0_i32 = arith.constant 0 : i32
    %c0_i32_0 = arith.constant 0 : i32
    %c0_i32_1 = arith.constant 0 : i32
    return %c0_i32, %c0_i32_0 : i32, i32
  }
  func.func @transform_5(%arg0: i32) -> (i32, i32) {
    %c0_i32 = arith.constant 0 : i32
    %c0_i32_0 = arith.constant 0 : i32
    return %arg0, %c0_i32 : i32, i32
  }
}

</mosaic_0001>

<sc_bundles>
// kernel: kernel.4.cloned.1.call-start
scs
__scs_entry_jumppad:
0x0: {  	(pc) =	sbr.rel $0x88, $3  }
0x1: {  	(tag) =	ssettag $0x0;
	lr =	simm.s32 $0x1  }
0x2: {  	[smem:$0x3F9D] =	sst lr;
	_ =	strace $0xD0000000  }
0x3: {  	_ = 	snop  }
0x4: {  	_ = 	snop  }
0x5: {  	_ = 	snop  }
0x6: {  	_ = 	snop  }
0x7: {  	_ = 	snop  }
__scs_overlays_trampoline_lowered:
0x8: {  	[smem:$0x3FAC] =	sst s0  }
0x9: {  	[smem:$0x3FAD] =	sst s1  }
0xa: {  	[smem:$0x3FAE] =	sst s2  }
0xb: {  	[smem:$0x3FAF] =	sst s3  }
0xc: {  	[smem:$0x3FB0] =	sst s4  }
0xd: {  	[smem:$0x3FB1] =	sst s5  }
0xe: {  	[smem:$0x3FB2] =	sst s6  }
0xf: {  	[smem:$0x3FB3] =	sst s7  }
0x10: {  	[smem:$0x3FB4] =	sst s8  }
0x11: {  	[smem:$0x3FB5] =	sst s9;
	s0 =	simm.s32 @!p0 $0x0  }
0x12: {  	s1 =	sld [smem:$0x3F9B];
	s0 =	simm.s32 @p0 $0x1  }
0x13: {  	[smem:$0x3FB6] =	sst s0;
	s0 =	simm.s32 @!p1 $0x0  }
0x14: {  	s2 =	sld [smem:$0x3F9A];
	s0 =	simm.s32 @p1 $0x1  }
0x15: {  	[smem:$0x3FB7] =	sst s0;
	s0 =	simm.s32 @!p2 $0x0  }
0x16: {  	s3 =	sld [smem:$0x3FDB];
	s0 =	simm.s32 @p2 $0x1  }
0x17: {  	s4 =	simm.s32 $0x1BF5;
	[smem:$0x3FB9] =	sst s0  }
0x18: {  	s0 =	sld [smem:$0x3F9C];
	_ =	swait.ge [sflag:s4], $0x0  }
0x19: {  	s7 =	sld [smem:$0x3F9D]  }
0x1a: {  	s8 =	sadd.s32 $0xFFFFE003, lr  }
0x1b: {  	s9 =	sadd.s32 $0xFFFFFEF7, lr;
	s5 =	simm.s32 $0xFFFFFFFF;
	p2 =	slt.u32 s8, $0xFFFFF086  }
0x1c: {  	p1 =	slt.u32 s9, $0xF7A;
	s5 =	simm.s32 @!p2 $0x0  }
0x1d: {  	s5 =	simm.s32 @p1 $0x1;
	p0 =	seq.s32 s7, s2  }
0x1e: {  	s7 =	smul.u32 @!p0 $0xF7A, s2;
	p2 =	seq.s32 @!p0 s5, $0x0  }
0x1f: {  	s9 =	smul.u32 $0xF7A, s1;
	s8 =	simm.s32 @!p0 $0x1BF5;
	p2 =	por !p2, p0  }
0x20: {  	[sflag:s8] =	ssyncset.s32 @!p0 $0xFFFFF086;
	s6 =	sadd.s32 @!p0 s3, s7;
	s7 =	simm.s32 @!p0 $0x108  }
0x21: {  	s3 =	sadd.s32 s3, s9;
	s6 =	sadd.s32 @!p0 $0x88, s6;
	s7 =	simm.s32 @p2 $0x1082  }
0x22: {  	[simem:s7], [sflag:s8] =	dma.local @!p0 [hbm:s6], $0xF7A  }
0x23: {  	s9 =	sor.u32 $0xD0000000, s2;
	s6 =	simm.s32 $0x108;
	_ =	swait.ge @!p0 [sflag:s8], $0x0  }
0x24: {  	s3 =	sadd.s32 $0x88, s3;
	s6 =	simm.s32 @!p1 $0x1082;
	[sflag:s4] =	ssyncset.s32 $0xFFFFF086  }
0x25: {  	[simem:s6], [sflag:s4] =	dma.local [hbm:s3], $0xF7A  }
0x26: {  	[smem:$0x3F9D] =	sst s1;
	(tag) =	ssettag s2;
	_ =	strace s9  }
0x27: {  	s1 =	sld [smem:$0x3FAD]  }
0x28: {  	s2 =	sld [smem:$0x3FAE]  }
0x29: {  	s4 =	sld [smem:$0x3FB0]  }
0x2a: {  	p0 =	seq.s32 s5, $0x0;
	s5 =	sld [smem:$0x3FB1]  }
0x2b: {  	s6 =	sld [smem:$0x3FB2]  }
0x2c: {  	s7 =	sld [smem:$0x3FB3]  }
0x2d: {  	s3 =	simm.s32 $0x108;
	s8 =	sld [smem:$0x3FB4]  }
0x2e: {  	s3 =	simm.s32 @!p0 $0x1082;
	s9 =	sld [smem:$0x3FB5]  }
0x2f: {  	lr =	sadd.s32 s0, s3;
	s0 =	sld [smem:$0x3FAC]  }
0x30: {  	s3 =	sld [smem:$0x3FAF]  }
0x31: {  	[smem:$0x3FB8] =	sst s10  }
0x32: {  	s10 =	sld [smem:$0x3FB6];
	_ =	sdelay $0x3  }
0x33: {  	p0 =	seq.s32 s10, $0x1;
	s10 =	sld [smem:$0x3FB8];
	_ =	sdelay $0x3  }
0x34: {  	[smem:$0x3FB8] =	sst s10  }
0x35: {  	s10 =	sld [smem:$0x3FB7];
	_ =	sdelay $0x3  }
0x36: {  	p1 =	seq.s32 s10, $0x1;
	s10 =	sld [smem:$0x3FB8];
	_ =	sdelay $0x3  }
0x37: {  	[smem:$0x3FB8] =	sst s10  }
0x38: {  	s10 =	sld [smem:$0x3FB9]  }
0x39: {  	_ = 	snop;
	(pc) =	sbr.ind lr, $3  }
0x3a: {  	_ = 	snop  }
0x3b: {  	_ = 	snop  }
0x3c: {  	p2 =	seq.s32 s10, $0x1;
	s10 =	sld [smem:$0x3FB8]  }
0x3d: {  	_ =	shalt  }
0x3e: {  	_ =	shalt  }
0x3f: {  	_ =	shalt  }
0x40: {  	_ =	shalt  }
0x41: {  	_ =	shalt  }
0x42: {  	_ =	shalt  }
0x43: {  	_ =	shalt  }
0x44: {  	_ =	shalt  }
0x45: {  	_ =	shalt  }
0x46: {  	_ =	shalt  }
0x47: {  	_ =	shalt  }
0x48: {  	_ =	shalt  }
0x49: {  	_ =	shalt  }
0x4a: {  	_ =	shalt  }
0x4b: {  	_ =	shalt  }
0x4c: {  	_ =	shalt  }
0x4d: {  	_ =	shalt  }
0x4e: {  	_ =	shalt  }
0x4f: {  	_ =	shalt  }
0x50: {  	_ =	shalt  }
0x51: {  	_ =	shalt  }
0x52: {  	_ =	shalt  }
0x53: {  	_ =	shalt  }
0x54: {  	_ =	shalt  }
0x55: {  	_ =	shalt  }
0x56: {  	_ =	shalt  }
0x57: {  	_ =	shalt  }
0x58: {  	_ =	shalt  }
0x59: {  	_ =	shalt  }
0x5a: {  	_ =	shalt  }
0x5b: {  	_ =	shalt  }
0x5c: {  	_ =	shalt  }
0x5d: {  	_ =	shalt  }
0x5e: {  	_ =	shalt  }
0x5f: {  	_ =	shalt  }
0x60: {  	_ =	shalt  }
0x61: {  	_ =	shalt  }
0x62: {  	_ =	shalt  }
0x63: {  	_ =	shalt  }
0x64: {  	_ =	shalt  }
0x65: {  	_ =	shalt  }
0x66: {  	_ =	shalt  }
0x67: {  	_ =	shalt  }
0x68: {  	_ =	shalt  }
0x69: {  	_ =	shalt  }
0x6a: {  	_ =	shalt  }
0x6b: {  	_ =	shalt  }
0x6c: {  	_ =	shalt  }
0x6d: {  	_ =	shalt  }
0x6e: {  	_ =	shalt  }
0x6f: {  	_ =	shalt  }
0x70: {  	_ =	shalt  }
0x71: {  	_ =	shalt  }
0x72: {  	_ =	shalt  }
0x73: {  	_ =	shalt  }
0x74: {  	_ =	shalt  }
0x75: {  	_ =	shalt  }
0x76: {  	_ =	shalt  }
0x77: {  	_ =	shalt  }
0x78: {  	_ =	shalt  }
0x79: {  	_ =	shalt  }
0x7a: {  	_ =	shalt  }
0x7b: {  	_ =	shalt  }
0x7c: {  	_ =	shalt  }
0x7d: {  	_ =	shalt  }
0x7e: {  	_ =	shalt  }
0x7f: {  	_ =	shalt  }
0x80: {  	_ =	shalt  }
0x81: {  	_ =	shalt  }
0x82: {  	_ =	shalt  }
0x83: {  	_ =	shalt  }
0x84: {  	_ =	shalt  }
0x85: {  	_ =	shalt  }
0x86: {  	_ =	shalt  }
0x87: {  	_ =	shalt  }
.Lfunc_end0:
.L_simem_size_0:
called_computation_lowered:
.L_overlay_start_0:
0x88: {  	s2 =	sld [smem:$0x3FD9]  }
0x89: {  	s3 =	sld [smem:$0x3FFE];
	_ =	sdelay $0x1  }
0x8a: {  	s1 =	srdreg.scid  }
0x8b: {  	s0 =	sand.u32 $0x1, s1  }
0x8c: {  	s17 =	sshll.u32 s0, $0xA;
	s2 =	sadd.s32 s3, s2  }
0x8d: {  	s2 =	sadd.s32 s2, s17  }
0x8e: {  	[smem:$0x3FC4] =	sst s2  }
0x8f: {  	_ = 	snop  }
0x90: {  	s2 =	sld [smem:$0x3FC9]  }
0x91: {  	s18 =	sld [smem:$0x3FD0];
	(tm) =	ssettm $0x1  }
0x92: {  	s4 =	sld [smem:$0x3FFB];
	_ =	sdelay $0x3  }
0x93: {  	_ =	strace s4  }
0x94: {  	s4 =	sld [smem:$0x3FFC];
	_ =	sdelay $0x3  }
0x95: {  	_ =	strace s4  }
0x96: {  	s4 =	sld [smem:$0x3FFD];
	_ =	sdelay $0x3  }
0x97: {  	_ =	strace s4  }
0x98: {  	_ =	strace $0x8FFFFFFF  }
0x99: {  	s19 =	sld [smem:$0x3FDB];
	_ =	sdelay $0x1  }
0x9a: {  	s5 =	simm.s32 $_scs_section_size  }
0x9b: {  	s6 =	simm.s32 $_size__tile_overlayer_lowered;
	s7 =	simm.s32 $_tile_overlayer_lowered  }
0x9c: {  	s22 =	simm.s32 $0x1BFF;
	s21 =	sshll.u32 s7, $0x1;
	s4 =	sadd.s32 s5, s19  }
0x9d: {  	s8 =	simm.s32 $0x0;
	s20 =	sshll.u32 s6, $0x1;
	s6 =	sadd.s32 s21, s4  }
0x9e: {  	[timem:s8], [sflag:s22] =	dma.local [hbm:s6], s20  }
0x9f: {  	_ =	swait.ge [sflag:s22], s20  }
0xa0: {  	s5 =	ssub.s32 $0x0, s20;
	[sflag:s22] =	ssyncset.done $0x0  }
0xa1: {  	[sflag:s22] =	ssyncadd.s32 s5;
	_ =	sdelay $0x1  }
0xa2: {  	s23 =	simm.s32 $0x1B8B  }
0xa3: {  	_ =	swait.ge [sflag:s23], $0x1  }
0xa4: {  	[sflag:s23] =	ssyncset.done $0x0  }
0xa5: {  	s25 =	simm.s32 $0x1B8E;
	s24 =	sld [smem:$0x3FFE];
	[sflag:s23] =	ssyncadd.s32 $0xFFFFFFFF  }
0xa6: {  	s26 =	simm.s32 $execute0_lowered;
	[smem:$0x3FD2] =	sst s25  }
0xa7: {  	s6 =	sshll.u32 s26, $0x1;
	_ =	strace $0x80000046;
	[dreg:$0x1] =	wrdreg $0xFFFFFFFF  }
0xa8: {  	s28 =	simm.s32 $_size_execute0_lowered;
	s4 =	sadd.s32 s4, s6;
	[dreg:$0x0] =	wrdreg $0x0  }
0xa9: {  	s6 =	sshll.u32 s28, $0x1;
	[dreg:$0x2] =	wrdreg s4  }
0xaa: {  	[dreg:$0x3] =	wrdreg s6  }
0xab: {  	[dreg:$0x4] =	wrdreg $0xC0  }
0xac: {  	_ =	task [dreg:s8], $0x5FFFF  }
0xad: {  	[dreg:$0x1] =	wrdreg $0xFFFFFFFF  }
0xae: {  	[dreg:$0x0] =	wrdreg $0x60  }
0xaf: {  	[dreg:$0x2] =	wrdreg s2  }
0xb0: {  	[dreg:$0x3] =	wrdreg s18  }
0xb1: {  	[dreg:$0x4] =	wrdreg s24  }
0xb2: {  	[dreg:$0x5] =	wrdreg $0x9  }
0xb3: {  	_ =	task.clear_ibuf [dreg:s8], $0x6FFFF;
	_ =	strace $0x90000046  }
0xb4: {  	s29 =	simm.s32 $0x9;
	_ =	strace $0x80000048  }
0xb5: {  	_ =	swait.ge [sflag:s29], $0x1  }
0xb6: {  	[sflag:s29] =	ssyncadd.s32 $0xFFFFFFFF  }
0xb7: {  	_ =	strace $0x90000048  }
0xb8: {  	_ =	sfence  }
0xb9: {  	s30 =	sld [smem:$0x0];
	_ =	sdelay $0x2  }
0xba: {  	s31 =	sshll.u32 s1, $0xD;
	s1 =	sshrl.u32 s1, $0x2  }
0xbb: {  	s3 =	sand.u32 $0x4000, s31;
	s1 =	sadd.s32 s1, s30  }
0xbc: {  	s0 =	sor.u32 s3, s0;
	s1 =	sshll.u32 s1, $0x11  }
0xbd: {  	s0 =	sor.u32 s1, s0  }
0xbe: {  	s0 =	sadd.s32 $0x8F2B, s0  }
0xbf: {  	[sflag:s0] =	ssyncadd.remote.s32 $0x1  }
0xc0: {  	_ =	sfence.sel $0xFFFF  }
0xc1: {  	[dreg:$0x0] =	wrdreg $0xFFFFFFFF;
	(pc) =	sbr.abs _section_cstart, $3  }
0xc2: {  	[dreg:$0x1] =	wrdreg $0xFFFFFFFF  }
0xc3: {  	_ =	task.clear_ibuf [dreg:s8], $0x2FFFF;
	_ =	strace $0x9FFFFFFF  }
0xc4: {  	(tm) =	ssettm $0x7FFFFFFF  }
0xc5: {  	_ =	shalt  }
tec
execute0_lowered:
.L_overlay_start_1:
0x0: {  	(tag) =	ssettag $0x1  }
0x1: {  	s2 =	rddreg [dreg:$0x0]  }
0x2: {  	s5 =	rddreg [dreg:$0x1]  }
0x3: {  	s4 =	rddreg [dreg:$0x2]  }
0x4: {  	s0 =	stileid.u32;
	s6 =	srdreg.scid;
	s3 =	simm.s32 $0x0  }
0x5: {  	s15 =	simm.s32 $0x80;
	s17 =	simm.s32 $0x9C00;
	s18 =	simm.s32 $0xDC00  }
0x6: {  	s19 =	simm.s32 $0x11C00;
	s20 =	simm.s32 $0x0;
	s7 =	smul.u32 $0x19000, s0  }
0x7: {  	s6 =	sand.u32 $0x1, s6;
	[smem:$0x7FF] =	sst s3;
	s31 =	smul.u32 $0x380, s0  }
0x8: {  	s8 =	ssub.s32 $0x2, s6;
	_ =	strace $0x80000047;
	s30 =	ssub.s32 $0x0, s6  }
0x9: {  	p0 =	seq.s32 s6, $0x0;
	s12 =	sadd.s32 s7, s4;
	s29 =	sshrl.u32 s8, $0x1  }
0xa: {  	s13 =	sand.u32 $0x27, s30;
	s4 =	simm.s32 $0x27;
	s5 =	sadd.s32 s5, s31  }
0xb: {  	s11 =	ssub.s32 s8, s29;
	s4 =	simm.s32 @!p0 $0xB;
	s6 =	sshll.u32 s13, $0x7  }
0xc: {  	s13 =	sshll.u32 s13, $0xB;
	s7 =	sadd.s32 $0x80, s6;
	s8 =	sadd.s32 $0x100, s6  }
0xd: {  	s9 =	sadd.s32 $0x180, s6;
	s10 =	sadd.s32 $0x200, s6;
	s14 =	sshll.u32 s4, $0x2  }
0xe: {  	s11 =	smax.u32 s11, $0x1;
	s12 =	sadd.s32 s13, s12;
	s13 =	sadd.s32 $0x280, s6  }
0xf: {  	[dreg:$0x4] =	wrdreg s14;
	s12 =	sadd.s32 $0xA00, s12;
	s14 =	simm.s32 $0xD  }
.LBB2_1:
0x10: {  	[tilespmem:s3], [sflag:$0xD] =	stream.linear.gather [hbm4b:s5+s3], $0x1900, $0x38;
	[tilespmem:$0x19C00] =	vst v63  }
0x11: {  	_ =	swait.ge [sflag:s14], $0x1900  }
0x12: {  	[sflag:s14] =	ssyncset.done $0x0  }
0x13: {  	s21 =	simm.s32 $0x1C00;
	[sflag:s14] =	ssyncadd.s32 $0xFFFFE700  }
0x14: {  	[tilespmem:s21], [sflag:$0x1] =	stream.indirect.gather [hbm4b:s2+s15], $0x80, s6, s15, $0xb8;
	[tilespmem:$0x19C00] =	vst v63  }
0x15: {  	s0 =	simm.s32 $0x5C00  }
0x16: {  	[tilespmem:s0], [sflag:$0x2] =	stream.indirect.gather [hbm4b:s2+s15], $0x80, s7, s15, $0xb8;
	[tilespmem:$0x19C00] =	vst v63  }
0x17: {  	_ = 	snop  }
0x18: {  	[tilespmem:s17], [sflag:$0x3] =	stream.indirect.gather [hbm4b:s2+s15], $0x80, s8, s15, $0xb8;
	[tilespmem:$0x19C00] =	vst v63  }
0x19: {  	s22 =	simm.s32 $0x5;
	s23 =	simm.s32 $0x15C00;
	s24 =	smov.u32 s13  }
0x1a: {  	[tilespmem:s18], [sflag:$0x4] =	stream.indirect.gather [hbm4b:s2+s15], $0x80, s9, s15, $0xb8;
	[tilespmem:$0x19C00] =	vst v63  }
0x1b: {  	s25 =	smov.u32 s12;
	s26 =	simm.s32 $0x0;
	s28 =	simm.s32 $0x0  }
0x1c: {  	[tilespmem:s19], [sflag:$0x5] =	stream.indirect.gather [hbm4b:s2+s15], $0x80, s10, s15, $0xb8;
	[tilespmem:$0x19C00] =	vst v63  }
.LBB2_2:
0x1d: {  	s29 =	smulhi.u32 $0xAAAAAAAB, s22;
	_ =	sdelay $0x1  }
0x1e: {  	p0 =	sge.u32 s22, s4;
	s31 =	smulhi.u32 $0xAAAAAAAB, s28;
	s29 =	sshrl.u32 s29, $0x2  }
0x1f: {  	p1 =	seq.s32 @!p0 s26, $0x0;
	s30 =	smul.u32 $0xFFFFFFE8, s29  }
0x20: {  	p1 =	por p1, p0  }
0x21: {  	s31 =	sshrl.u32 s31, $0x2;
	s29 =	smul.u32 $0xFFFA0000, s29;
	s30 =	sshra.s32 s30, $0x2  }
0x22: {  	s1 =	sshra.s32 @!p1 s26, $0x2;
	s16 =	smul.u32 $0xFFFFFFE8, s31;
	s0 =	sadd.s32 $0xC, s30  }
0x23: {  	s29 =	sshra.s32 s29, $0x2;
	s0 =	sadd.s32 @!p1 s1, s0  }
0x24: {  	s16 =	sshra.s32 s16, $0x2;
	s29 =	sadd.s32 s29, s23;
	_ =	swait.ge @!p1 [sflag:s0], $0x4000  }
0x25: {  	s1 =	sadd.s32 $0x6, s30;
	s30 =	sshra.s32 @!p0 s26, $0x2;
	[sflag:s0] =	ssyncset.done @!p1 $0x0  }
0x26: {  	[sflag:s0] =	ssyncadd.s32 @!p1 $0xFFFFC000;
	s0 =	sadd.s32 @!p0 s30, s1;
	s1 =	simm.s32 @!p0 $0x80  }
0x27: {  	[tilespmem:s29], [sflag:s0] =	stream.indirect.gather @!p0 [hbm4b:s2+s1], $0x80, s24, s1, $0xb8;
	[tilespmem:$0x19C00] =	vst v63  }
0x28: {  	s30 =	smul.u32 $0xFFFA0000, s31;
	s31 =	sshra.s32 s26, $0x2;
	s1 =	sor.u32 $0x1, s16  }
0x29: {  	s0 =	sadd.s32 s31, s1  }
0x2a: {  	s26 =	sadd.s32 $0x4, s26;
	s16 =	sadd.s32 $0x7, s16;
	_ =	swait.ge [sflag:s0], $0x4000  }
0x2b: {  	s1 =	sshra.s32 s30, $0x2;
	s30 =	sadd.s32 s31, s16;
	s31 =	rddreg [dreg:$0x4]  }
0x2c: {  	p0 =	sne.s32 s31, s26  }
.Ltmp0:
0x2d: {  	_ = 	snop;
	(pc) =	sbr.rel @p0 .LBB2_2-.Ltmp0, $4  }
0x2e: {  	s28 =	sadd.s32 $0x1, s28;
	s22 =	sadd.s32 $0x1, s22;
	[sflag:s0] =	ssyncset.done $0x0  }
0x2f: {  	s23 =	sadd.s32 $0x4000, s23;
	s1 =	sadd.s32 s1, s21;
	[sflag:s0] =	ssyncadd.s32 $0xFFFFC000  }
0x30: {  	[hbm4b:s25+s3] =	stream.linear.scatter [tilespmem:s1], [sflag:s30], $0x4000, $0x38;
	[tilespmem:$0x19C00] =	vst v63  }
0x31: {  	s24 =	sadd.s32 $0x80, s24;
	s21 =	sadd.s32 $0x4000, s21;
	s25 =	sadd.s32 $0x800, s25  }
0x32: {  	s21 =	sadd.s32 $0xFFFFFFFA, s4  }
0x33: {  	s0 =	smulhi.u32 $0x2AAAAAAB, s21;
	s1 =	sshra.s32 s21, $0x1F  }
0x34: {  	p0 =	por $0x0, $0x0;
	s1 =	smul.u32 $0x2AAAAAAB, s1  }
.Ltmp1:
0x35: {  	_ = 	snop;
	(pc) =	sbr.rel @p0 .LBB2_5-.Ltmp1, $4  }
0x36: {  	_ = 	snop  }
0x37: {  	s0 =	sadd.s32 s1, s0  }
0x38: {  	s1 =	sshrl.u32 s0, $0x1F  }
0x39: {  	s22 =	simm.s32 $0xFFFFFFFB;
	s23 =	sadd.s32 s1, s0  }
.LBB2_4:
0x3a: {  	s0 =	sadd.s32 s22, s4;
	s1 =	smul.u32 $0x6, s23  }
0x3b: {  	s22 =	sadd.s32 $0x1, s22;
	s16 =	smulhi.u32 $0x2AAAAAAB, s0;
	s23 =	sshra.s32 s0, $0x1F  }
0x3c: {  	p0 =	seq.s32 s22, $0x0;
	s23 =	smul.u32 $0x2AAAAAAB, s23  }
.Ltmp2:
0x3d: {  	s1 =	ssub.s32 s21, s1;
	(pc) =	sbr.rel @!p0 .LBB2_4-.Ltmp2, $4  }
0x3e: {  	s21 =	smov.u32 s0;
	s1 =	sadd.s32 $0x7, s1  }
0x3f: {  	s0 =	sadd.s32 s23, s16;
	_ =	swait.ge [sflag:s1], $0x4000  }
0x40: {  	s16 =	sshrl.u32 s0, $0x1F;
	[sflag:s1] =	ssyncset.done $0x0  }
0x41: {  	s23 =	sadd.s32 s16, s0;
	[sflag:s1] =	ssyncadd.s32 $0xFFFFC000  }
.LBB2_5:
0x42: {  	s0 =	smul.u32 $0x6, s23;
	s20 =	sadd.s32 $0x1, s20  }
0x43: {  	p0 =	sne.s32 s20, s11  }
.Ltmp3:
0x44: {  	s0 =	ssub.s32 s21, s0;
	(pc) =	sbr.rel @p0 .LBB2_1-.Ltmp3, $4  }
0x45: {  	s0 =	sadd.s32 $0x7, s0  }
0x46: {  	_ =	swait.ge [sflag:s0], $0x4000  }
0x47: {  	[sflag:s0] =	ssyncset.done $0x0  }
0x48: {  	[sflag:s0] =	ssyncadd.s32 $0xFFFFC000  }
0x49: {  	_ =	sfence.sel $0x180000  }
0x4a: {  	[bflag:$0x0] =	sbarrier.arrive $0xFFFF  }
0x4b: {  	_ =	strace $0x90000047  }
0x4c: {  	s0 =	stileid.u32;
	[bflag:$0x2] =	sbarrier.arrive $0xFFFF  }
0x4d: {  	p0 =	sne.s32 s0, $0x0;
	s0 =	rddreg [dreg:$0x3]  }
0x4e: {  	s0 =	sadd.s32 @!p0 $0x100000, s0  }
0x4f: {  	[sflag:s0] =	ssyncadd.tile.s32 @!p0 $0x1;
	_ =	shalt  }
.Lfunc_end2:
_tile_overlayer_lowered:
.L_overlay_start_2:
0x50: {  	(tag) =	ssettag $0x2  }
0x51: {  	s0 =	rddreg [dreg:$0x0];
	s2 =	stileid.u32  }
0x52: {  	s1 =	rddreg [dreg:$0x1];
	p0 =	sne.s32 s2, $0x0  }
0x53: {  	s3 =	rddreg [dreg:$0x2];
	[bflag:$0x3] =	sbarrier.arrive $0xFFFF;
	s2 =	simm.s32 @!p0 $0x1C0D  }
0x54: {  	[timem:s3], [sflag:s2] =	dma.local @!p0 [hbm:s0], s1  }
0x55: {  	s0 =	simm.s32 @!p0 $0xD  }
0x56: {  	_ =	swait.ge @!p0 [sflag:s0], s1  }
0x57: {  	s1 =	ssub.s32 @!p0 $0x0, s1;
	[sflag:s0] =	ssyncset.done @!p0 $0x0  }
0x58: {  	[sflag:s0] =	ssyncadd.s32 @!p0 s1  }
0x59: {  	[bflag:$0x3] =	sbarrier.arrive $0xFFFF  }
0x5a: {  	_ =	shalt  }

</sc_bundles>
